<compile_context>
chip_gen: v7x
topology: tpu7x:2x2x1
jax: 0.10.2.dev20260603
libtpu: 0.0.44.dev20260713+nightly
codegen_flags: <defaults>
</compile_context>

<pallas_src>
import functools

import jax
from jax import lax
from jax.experimental import pallas as pl
from jax.experimental.pallas import tpu as pltpu
from jax.experimental.pallas import tpu_sc as plsc

_NC = 2
_NS = 16
_CHUNK = 64


def _make_sc_copy(batch, seq_len, d_model, dtype):
    nw = _NC * _NS
    rows_per_w = seq_len // nw
    n_chunks = rows_per_w // _CHUNK
    mesh = plsc.VectorSubcoreMesh(core_axis_name="c", subcore_axis_name="s")

    @functools.partial(
        pl.kernel,
        mesh=mesh,
        out_type=jax.ShapeDtypeStruct((batch, seq_len, d_model), dtype),
        scratch_types=[
            pltpu.VMEM((_CHUNK, d_model), dtype),
            pltpu.VMEM((_CHUNK, d_model), dtype),
            pltpu.SemaphoreType.DMA,
            pltpu.SemaphoreType.DMA,
        ],
    )
    def sc_copy(emb_hbm, out_hbm, buf0, buf1, in_sem, out_sem):
        wid = lax.axis_index("s") * _NC + lax.axis_index("c")
        base = wid * rows_per_w
        bufs = (buf0, buf1)
        ins = [None] * n_chunks
        outs = [None] * n_chunks
        for c in range(min(2, n_chunks)):
            ins[c] = pltpu.async_copy(
                emb_hbm.at[pl.ds(base + c * _CHUNK, _CHUNK)], bufs[c], in_sem)
        for c in range(n_chunks):
            ins[c].wait()
            row0 = base + c * _CHUNK
            outs[c] = [
                pltpu.async_copy(bufs[c % 2],
                                 out_hbm.at[b, pl.ds(row0, _CHUNK)], out_sem)
                for b in range(batch)
            ]
            if c + 2 < n_chunks:
                for h in outs[c]:
                    h.wait()
                ins[c + 2] = pltpu.async_copy(
                    emb_hbm.at[pl.ds(base + (c + 2) * _CHUNK, _CHUNK)],
                    bufs[c % 2], in_sem)
        for c in range(max(n_chunks - 2, 0), n_chunks):
            for h in outs[c]:
                h.wait()

    return sc_copy


def kernel(x, pos_emb):
    batch, seq_len = x.shape
    max_len, d_model = pos_emb.shape
    fn = _make_sc_copy(batch, seq_len, d_model, pos_emb.dtype)
    return fn(pos_emb)

# --- scband reference (transcript-rebuilt; emitter-appended) ---
"""Pipeline reference for scband-positional-embedding-77541339562303 (READ-ONLY COPY).

The authoritative reference and input builder live on the scoring server;
editing this copy changes nothing except your own understanding.
"""

import jax, jax.numpy as jnp
import numpy as np

D_MODEL = 1024
MAX_LEN = 8192
BATCH = 4
SEQ_LEN = 8192

def setup_inputs(seed: int = 0) -> dict:
    key = jax.random.key(seed)
    k1, k2 = jax.random.split(key)
    x = jax.random.randint(k1, (BATCH, SEQ_LEN), 0, 8192, dtype=jnp.int64 if jax.config.read('jax_enable_x64') else jnp.int32)
    pos_emb = jax.random.normal(k2, (MAX_LEN, D_MODEL), dtype=jnp.float32)
    return {"x": x, "pos_emb": pos_emb}

def reference(x, pos_emb):
    batch, seq_len = x.shape
    pos = jnp.broadcast_to(jnp.arange(seq_len)[None, :], (batch, seq_len))
    return jnp.take(pos_emb, pos, axis=0)

if __name__ == "__main__":
    import jax
    _d = setup_inputs()
    print(jax.jit(kernel)(*tuple(_d.values())))

</pallas_src>

<mosaic_0001>
#map = affine_map<(d0, d1) -> (0, 0)>
#map1 = affine_map<(d0, d1) -> (0, 0, 0)>
module attributes {stable_mosaic.version = 14 : i64} {
  func.func @sc_copy(%arg0: i32, %arg1: i32, %arg2: memref<8192x1024xf32, #tpu.memory_space<hbm>>, %arg3: memref<4x8192x1024xf32, #tpu.memory_space<hbm>>, %arg4: memref<64x1024xf32, #tpu.memory_space<vmem>>, %arg5: memref<64x1024xf32, #tpu.memory_space<vmem>>, %arg6: memref<!tpu.dma_semaphore, #tpu.memory_space<semaphore_mem>>, %arg7: memref<!tpu.dma_semaphore, #tpu.memory_space<semaphore_mem>>) attributes {dimension_semantics = [#tpu.dimension_semantics<core_parallel>, #tpu.dimension_semantics<subcore_parallel>], iteration_bounds = array<i64: 2, 16>, scalar_prefetch = 0 : i64, scratch_operands = 4 : i64, tpu.core_type = #tpu.core_type<sc_vector_subcore>, window_params = [{transform_indices = #map}, {transform_indices = #map1}]} {
    %mul3A = arith.constant 2 : i32
    %mul3A_0 = arith.muli %arg1, %mul3A : i32
    %add3A = arith.addi %mul3A_0, %arg0 : i32
    %mul3A_1 = arith.constant 256 : i32
    %mul3A_2 = arith.muli %add3A, %mul3A_1 : i32
    %add3A_3 = arith.constant 0 : i32
    %add3A_4 = arith.addi %mul3A_2, %add3A_3 : i32
    %dma_start3A = arith.constant 0 : i32
    %dma_start3A_5 = tpu.memref_slice %arg2[%add3A_4, %dma_start3A] : memref<8192x1024xf32, #tpu.memory_space<hbm>> -> memref<64x1024xf32, #tpu.memory_space<hbm>>
    %dma_start3A_6 = arith.constant 0 : i32
    %dma_start3A_7 = tpu.memref_slice %arg2[%add3A_4, %dma_start3A_6] : memref<8192x1024xf32, #tpu.memory_space<hbm>> -> memref<64x1024xf32, #tpu.memory_space<hbm>>
    tpu.enqueue_dma source(%dma_start3A_7 : memref<64x1024xf32, #tpu.memory_space<hbm>>) target(%arg4 : memref<64x1024xf32, #tpu.memory_space<vmem>>) target_semaphore(%arg6 : memref<!tpu.dma_semaphore, #tpu.memory_space<semaphore_mem>>)
    %add3A_8 = arith.constant 64 : i32
    %add3A_9 = arith.addi %mul3A_2, %add3A_8 : i32
    %dma_start3A_10 = arith.constant 0 : i32
    %dma_start3A_11 = tpu.memref_slice %arg2[%add3A_9, %dma_start3A_10] : memref<8192x1024xf32, #tpu.memory_space<hbm>> -> memref<64x1024xf32, #tpu.memory_space<hbm>>
    %dma_start3A_12 = arith.constant 0 : i32
    %dma_start3A_13 = tpu.memref_slice %arg2[%add3A_9, %dma_start3A_12] : memref<8192x1024xf32, #tpu.memory_space<hbm>> -> memref<64x1024xf32, #tpu.memory_space<hbm>>
    tpu.enqueue_dma source(%dma_start3A_13 : memref<64x1024xf32, #tpu.memory_space<hbm>>) target(%arg5 : memref<64x1024xf32, #tpu.memory_space<vmem>>) target_semaphore(%arg6 : memref<!tpu.dma_semaphore, #tpu.memory_space<semaphore_mem>>)
    %dma_wait3A = arith.constant 0 : i32
    %dma_wait3A_14 = tpu.memref_slice %arg2[%add3A_4, %dma_wait3A] : memref<8192x1024xf32, #tpu.memory_space<hbm>> -> memref<64x1024xf32, #tpu.memory_space<hbm>>
    %dma_wait3A_15 = arith.constant 0 : i32
    %dma_wait3A_16 = tpu.memref_slice %arg2[%add3A_4, %dma_wait3A_15] : memref<8192x1024xf32, #tpu.memory_space<hbm>> -> memref<64x1024xf32, #tpu.memory_space<hbm>>
    tpu.wait_dma2 semaphore(%arg6 : memref<!tpu.dma_semaphore, #tpu.memory_space<semaphore_mem>>) src(%dma_wait3A_16 : memref<64x1024xf32, #tpu.memory_space<hbm>>) dst(%arg4 : memref<64x1024xf32, #tpu.memory_space<vmem>>)
    %add3A_17 = arith.constant 0 : i32
    %add3A_18 = arith.addi %mul3A_2, %add3A_17 : i32
    %dma_start3A_19 = arith.constant 0 : i32
    %dma_start3A_20 = arith.constant 0 : i32
    %dma_start3A_21 = tpu.memref_slice %arg3[%dma_start3A_19, %add3A_18, %dma_start3A_20] : memref<4x8192x1024xf32, #tpu.memory_space<hbm>> -> memref<1x64x1024xf32, #tpu.memory_space<hbm>>
    %dma_start3A_22 = tpu.memref_squeeze %dma_start3A_21 : memref<1x64x1024xf32, #tpu.memory_space<hbm>> -> memref<64x1024xf32, #tpu.memory_space<hbm>>
    %dma_start3A_23 = arith.constant 0 : i32
    %dma_start3A_24 = tpu.memref_slice %arg3[%dma_start3A_19, %add3A_18, %dma_start3A_23] : memref<4x8192x1024xf32, #tpu.memory_space<hbm>> -> memref<1x64x1024xf32, #tpu.memory_space<hbm>>
    %dma_start3A_25 = tpu.memref_squeeze %dma_start3A_24 : memref<1x64x1024xf32, #tpu.memory_space<hbm>> -> memref<64x1024xf32, #tpu.memory_space<hbm>>
    tpu.enqueue_dma source(%arg4 : memref<64x1024xf32, #tpu.memory_space<vmem>>) target(%dma_start3A_25 : memref<64x1024xf32, #tpu.memory_space<hbm>>) target_semaphore(%arg7 : memref<!tpu.dma_semaphore, #tpu.memory_space<semaphore_mem>>)
    %dma_start3A_26 = arith.constant 1 : i32
    %dma_start3A_27 = arith.constant 0 : i32
    %dma_start3A_28 = tpu.memref_slice %arg3[%dma_start3A_26, %add3A_18, %dma_start3A_27] : memref<4x8192x1024xf32, #tpu.memory_space<hbm>> -> memref<1x64x1024xf32, #tpu.memory_space<hbm>>
    %dma_start3A_29 = tpu.memref_squeeze %dma_start3A_28 : memref<1x64x1024xf32, #tpu.memory_space<hbm>> -> memref<64x1024xf32, #tpu.memory_space<hbm>>
    %dma_start3A_30 = arith.constant 0 : i32
    %dma_start3A_31 = tpu.memref_slice %arg3[%dma_start3A_26, %add3A_18, %dma_start3A_30] : memref<4x8192x1024xf32, #tpu.memory_space<hbm>> -> memref<1x64x1024xf32, #tpu.memory_space<hbm>>
    %dma_start3A_32 = tpu.memref_squeeze %dma_start3A_31 : memref<1x64x1024xf32, #tpu.memory_space<hbm>> -> memref<64x1024xf32, #tpu.memory_space<hbm>>
    tpu.enqueue_dma source(%arg4 : memref<64x1024xf32, #tpu.memory_space<vmem>>) target(%dma_start3A_32 : memref<64x1024xf32, #tpu.memory_space<hbm>>) target_semaphore(%arg7 : memref<!tpu.dma_semaphore, #tpu.memory_space<semaphore_mem>>)
    %dma_start3A_33 = arith.constant 2 : i32
    %dma_start3A_34 = arith.constant 0 : i32
    %dma_start3A_35 = tpu.memref_slice %arg3[%dma_start3A_33, %add3A_18, %dma_start3A_34] : memref<4x8192x1024xf32, #tpu.memory_space<hbm>> -> memref<1x64x1024xf32, #tpu.memory_space<hbm>>
    %dma_start3A_36 = tpu.memref_squeeze %dma_start3A_35 : memref<1x64x1024xf32, #tpu.memory_space<hbm>> -> memref<64x1024xf32, #tpu.memory_space<hbm>>
    %dma_start3A_37 = arith.constant 0 : i32
    %dma_start3A_38 = tpu.memref_slice %arg3[%dma_start3A_33, %add3A_18, %dma_start3A_37] : memref<4x8192x1024xf32, #tpu.memory_space<hbm>> -> memref<1x64x1024xf32, #tpu.memory_space<hbm>>
    %dma_start3A_39 = tpu.memref_squeeze %dma_start3A_38 : memref<1x64x1024xf32, #tpu.memory_space<hbm>> -> memref<64x1024xf32, #tpu.memory_space<hbm>>
    tpu.enqueue_dma source(%arg4 : memref<64x1024xf32, #tpu.memory_space<vmem>>) target(%dma_start3A_39 : memref<64x1024xf32, #tpu.memory_space<hbm>>) target_semaphore(%arg7 : memref<!tpu.dma_semaphore, #tpu.memory_space<semaphore_mem>>)
    %dma_start3A_40 = arith.constant 3 : i32
    %dma_start3A_41 = arith.constant 0 : i32
    %dma_start3A_42 = tpu.memref_slice %arg3[%dma_start3A_40, %add3A_18, %dma_start3A_41] : memref<4x8192x1024xf32, #tpu.memory_space<hbm>> -> memref<1x64x1024xf32, #tpu.memory_space<hbm>>
    %dma_start3A_43 = tpu.memref_squeeze %dma_start3A_42 : memref<1x64x1024xf32, #tpu.memory_space<hbm>> -> memref<64x1024xf32, #tpu.memory_space<hbm>>
    %dma_start3A_44 = arith.constant 0 : i32
    %dma_start3A_45 = tpu.memref_slice %arg3[%dma_start3A_40, %add3A_18, %dma_start3A_44] : memref<4x8192x1024xf32, #tpu.memory_space<hbm>> -> memref<1x64x1024xf32, #tpu.memory_space<hbm>>
    %dma_start3A_46 = tpu.memref_squeeze %dma_start3A_45 : memref<1x64x1024xf32, #tpu.memory_space<hbm>> -> memref<64x1024xf32, #tpu.memory_space<hbm>>
    tpu.enqueue_dma source(%arg4 : memref<64x1024xf32, #tpu.memory_space<vmem>>) target(%dma_start3A_46 : memref<64x1024xf32, #tpu.memory_space<hbm>>) target_semaphore(%arg7 : memref<!tpu.dma_semaphore, #tpu.memory_space<semaphore_mem>>)
    %dma_wait3A_47 = arith.constant 0 : i32
    %dma_wait3A_48 = arith.constant 0 : i32
    %dma_wait3A_49 = tpu.memref_slice %arg3[%dma_wait3A_47, %add3A_18, %dma_wait3A_48] : memref<4x8192x1024xf32, #tpu.memory_space<hbm>> -> memref<1x64x1024xf32, #tpu.memory_space<hbm>>
    %dma_wait3A_50 = tpu.memref_squeeze %dma_wait3A_49 : memref<1x64x1024xf32, #tpu.memory_space<hbm>> -> memref<64x1024xf32, #tpu.memory_space<hbm>>
    %dma_wait3A_51 = arith.constant 0 : i32
    %dma_wait3A_52 = tpu.memref_slice %arg3[%dma_wait3A_47, %add3A_18, %dma_wait3A_51] : memref<4x8192x1024xf32, #tpu.memory_space<hbm>> -> memref<1x64x1024xf32, #tpu.memory_space<hbm>>
    %dma_wait3A_53 = tpu.memref_squeeze %dma_wait3A_52 : memref<1x64x1024xf32, #tpu.memory_space<hbm>> -> memref<64x1024xf32, #tpu.memory_space<hbm>>
    tpu.wait_dma2 semaphore(%arg7 : memref<!tpu.dma_semaphore, #tpu.memory_space<semaphore_mem>>) src(%arg4 : memref<64x1024xf32, #tpu.memory_space<vmem>>) dst(%dma_wait3A_53 : memref<64x1024xf32, #tpu.memory_space<hbm>>)
    %dma_wait3A_54 = arith.constant 1 : i32
    %dma_wait3A_55 = arith.constant 0 : i32
    %dma_wait3A_56 = tpu.memref_slice %arg3[%dma_wait3A_54, %add3A_18, %dma_wait3A_55] : memref<4x8192x1024xf32, #tpu.memory_space<hbm>> -> memref<1x64x1024xf32, #tpu.memory_space<hbm>>
    %dma_wait3A_57 = tpu.memref_squeeze %dma_wait3A_56 : memref<1x64x1024xf32, #tpu.memory_space<hbm>> -> memref<64x1024xf32, #tpu.memory_space<hbm>>
    %dma_wait3A_58 = arith.constant 0 : i32
    %dma_wait3A_59 = tpu.memref_slice %arg3[%dma_wait3A_54, %add3A_18, %dma_wait3A_58] : memref<4x8192x1024xf32, #tpu.memory_space<hbm>> -> memref<1x64x1024xf32, #tpu.memory_space<hbm>>
    %dma_wait3A_60 = tpu.memref_squeeze %dma_wait3A_59 : memref<1x64x1024xf32, #tpu.memory_space<hbm>> -> memref<64x1024xf32, #tpu.memory_space<hbm>>
    tpu.wait_dma2 semaphore(%arg7 : memref<!tpu.dma_semaphore, #tpu.memory_space<semaphore_mem>>) src(%arg4 : memref<64x1024xf32, #tpu.memory_space<vmem>>) dst(%dma_wait3A_60 : memref<64x1024xf32, #tpu.memory_space<hbm>>)
    %dma_wait3A_61 = arith.constant 2 : i32
    %dma_wait3A_62 = arith.constant 0 : i32
    %dma_wait3A_63 = tpu.memref_slice %arg3[%dma_wait3A_61, %add3A_18, %dma_wait3A_62] : memref<4x8192x1024xf32, #tpu.memory_space<hbm>> -> memref<1x64x1024xf32, #tpu.memory_space<hbm>>
    %dma_wait3A_64 = tpu.memref_squeeze %dma_wait3A_63 : memref<1x64x1024xf32, #tpu.memory_space<hbm>> -> memref<64x1024xf32, #tpu.memory_space<hbm>>
    %dma_wait3A_65 = arith.constant 0 : i32
    %dma_wait3A_66 = tpu.memref_slice %arg3[%dma_wait3A_61, %add3A_18, %dma_wait3A_65] : memref<4x8192x1024xf32, #tpu.memory_space<hbm>> -> memref<1x64x1024xf32, #tpu.memory_space<hbm>>
    %dma_wait3A_67 = tpu.memref_squeeze %dma_wait3A_66 : memref<1x64x1024xf32, #tpu.memory_space<hbm>> -> memref<64x1024xf32, #tpu.memory_space<hbm>>
    tpu.wait_dma2 semaphore(%arg7 : memref<!tpu.dma_semaphore, #tpu.memory_space<semaphore_mem>>) src(%arg4 : memref<64x1024xf32, #tpu.memory_space<vmem>>) dst(%dma_wait3A_67 : memref<64x1024xf32, #tpu.memory_space<hbm>>)
    %dma_wait3A_68 = arith.constant 3 : i32
    %dma_wait3A_69 = arith.constant 0 : i32
    %dma_wait3A_70 = tpu.memref_slice %arg3[%dma_wait3A_68, %add3A_18, %dma_wait3A_69] : memref<4x8192x1024xf32, #tpu.memory_space<hbm>> -> memref<1x64x1024xf32, #tpu.memory_space<hbm>>
    %dma_wait3A_71 = tpu.memref_squeeze %dma_wait3A_70 : memref<1x64x1024xf32, #tpu.memory_space<hbm>> -> memref<64x1024xf32, #tpu.memory_space<hbm>>
    %dma_wait3A_72 = arith.constant 0 : i32
    %dma_wait3A_73 = tpu.memref_slice %arg3[%dma_wait3A_68, %add3A_18, %dma_wait3A_72] : memref<4x8192x1024xf32, #tpu.memory_space<hbm>> -> memref<1x64x1024xf32, #tpu.memory_space<hbm>>
    %dma_wait3A_74 = tpu.memref_squeeze %dma_wait3A_73 : memref<1x64x1024xf32, #tpu.memory_space<hbm>> -> memref<64x1024xf32, #tpu.memory_space<hbm>>
    tpu.wait_dma2 semaphore(%arg7 : memref<!tpu.dma_semaphore, #tpu.memory_space<semaphore_mem>>) src(%arg4 : memref<64x1024xf32, #tpu.memory_space<vmem>>) dst(%dma_wait3A_74 : memref<64x1024xf32, #tpu.memory_space<hbm>>)
    %add3A_75 = arith.constant 128 : i32
    %add3A_76 = arith.addi %mul3A_2, %add3A_75 : i32
    %dma_start3A_77 = arith.constant 0 : i32
    %dma_start3A_78 = tpu.memref_slice %arg2[%add3A_76, %dma_start3A_77] : memref<8192x1024xf32, #tpu.memory_space<hbm>> -> memref<64x1024xf32, #tpu.memory_space<hbm>>
    %dma_start3A_79 = arith.constant 0 : i32
    %dma_start3A_80 = tpu.memref_slice %arg2[%add3A_76, %dma_start3A_79] : memref<8192x1024xf32, #tpu.memory_space<hbm>> -> memref<64x1024xf32, #tpu.memory_space<hbm>>
    tpu.enqueue_dma source(%dma_start3A_80 : memref<64x1024xf32, #tpu.memory_space<hbm>>) target(%arg4 : memref<64x1024xf32, #tpu.memory_space<vmem>>) target_semaphore(%arg6 : memref<!tpu.dma_semaphore, #tpu.memory_space<semaphore_mem>>)
    %dma_wait3A_81 = arith.constant 0 : i32
    %dma_wait3A_82 = tpu.memref_slice %arg2[%add3A_9, %dma_wait3A_81] : memref<8192x1024xf32, #tpu.memory_space<hbm>> -> memref<64x1024xf32, #tpu.memory_space<hbm>>
    %dma_wait3A_83 = arith.constant 0 : i32
    %dma_wait3A_84 = tpu.memref_slice %arg2[%add3A_9, %dma_wait3A_83] : memref<8192x1024xf32, #tpu.memory_space<hbm>> -> memref<64x1024xf32, #tpu.memory_space<hbm>>
    tpu.wait_dma2 semaphore(%arg6 : memref<!tpu.dma_semaphore, #tpu.memory_space<semaphore_mem>>) src(%dma_wait3A_84 : memref<64x1024xf32, #tpu.memory_space<hbm>>) dst(%arg5 : memref<64x1024xf32, #tpu.memory_space<vmem>>)
    %add3A_85 = arith.constant 64 : i32
    %add3A_86 = arith.addi %mul3A_2, %add3A_85 : i32
    %dma_start3A_87 = arith.constant 0 : i32
    %dma_start3A_88 = arith.constant 0 : i32
    %dma_start3A_89 = tpu.memref_slice %arg3[%dma_start3A_87, %add3A_86, %dma_start3A_88] : memref<4x8192x1024xf32, #tpu.memory_space<hbm>> -> memref<1x64x1024xf32, #tpu.memory_space<hbm>>
    %dma_start3A_90 = tpu.memref_squeeze %dma_start3A_89 : memref<1x64x1024xf32, #tpu.memory_space<hbm>> -> memref<64x1024xf32, #tpu.memory_space<hbm>>
    %dma_start3A_91 = arith.constant 0 : i32
    %dma_start3A_92 = tpu.memref_slice %arg3[%dma_start3A_87, %add3A_86, %dma_start3A_91] : memref<4x8192x1024xf32, #tpu.memory_space<hbm>> -> memref<1x64x1024xf32, #tpu.memory_space<hbm>>
    %dma_start3A_93 = tpu.memref_squeeze %dma_start3A_92 : memref<1x64x1024xf32, #tpu.memory_space<hbm>> -> memref<64x1024xf32, #tpu.memory_space<hbm>>
    tpu.enqueue_dma source(%arg5 : memref<64x1024xf32, #tpu.memory_space<vmem>>) target(%dma_start3A_93 : memref<64x1024xf32, #tpu.memory_space<hbm>>) target_semaphore(%arg7 : memref<!tpu.dma_semaphore, #tpu.memory_space<semaphore_mem>>)
    %dma_start3A_94 = arith.constant 1 : i32
    %dma_start3A_95 = arith.constant 0 : i32
    %dma_start3A_96 = tpu.memref_slice %arg3[%dma_start3A_94, %add3A_86, %dma_start3A_95] : memref<4x8192x1024xf32, #tpu.memory_space<hbm>> -> memref<1x64x1024xf32, #tpu.memory_space<hbm>>
    %dma_start3A_97 = tpu.memref_squeeze %dma_start3A_96 : memref<1x64x1024xf32, #tpu.memory_space<hbm>> -> memref<64x1024xf32, #tpu.memory_space<hbm>>
    %dma_start3A_98 = arith.constant 0 : i32
    %dma_start3A_99 = tpu.memref_slice %arg3[%dma_start3A_94, %add3A_86, %dma_start3A_98] : memref<4x8192x1024xf32, #tpu.memory_space<hbm>> -> memref<1x64x1024xf32, #tpu.memory_space<hbm>>
    %dma_start3A_100 = tpu.memref_squeeze %dma_start3A_99 : memref<1x64x1024xf32, #tpu.memory_space<hbm>> -> memref<64x1024xf32, #tpu.memory_space<hbm>>
    tpu.enqueue_dma source(%arg5 : memref<64x1024xf32, #tpu.memory_space<vmem>>) target(%dma_start3A_100 : memref<64x1024xf32, #tpu.memory_space<hbm>>) target_semaphore(%arg7 : memref<!tpu.dma_semaphore, #tpu.memory_space<semaphore_mem>>)
    %dma_start3A_101 = arith.constant 2 : i32
    %dma_start3A_102 = arith.constant 0 : i32
    %dma_start3A_103 = tpu.memref_slice %arg3[%dma_start3A_101, %add3A_86, %dma_start3A_102] : memref<4x8192x1024xf32, #tpu.memory_space<hbm>> -> memref<1x64x1024xf32, #tpu.memory_space<hbm>>
    %dma_start3A_104 = tpu.memref_squeeze %dma_start3A_103 : memref<1x64x1024xf32, #tpu.memory_space<hbm>> -> memref<64x1024xf32, #tpu.memory_space<hbm>>
    %dma_start3A_105 = arith.constant 0 : i32
    %dma_start3A_106 = tpu.memref_slice %arg3[%dma_start3A_101, %add3A_86, %dma_start3A_105] : memref<4x8192x1024xf32, #tpu.memory_space<hbm>> -> memref<1x64x1024xf32, #tpu.memory_space<hbm>>
    %dma_start3A_107 = tpu.memref_squeeze %dma_start3A_106 : memref<1x64x1024xf32, #tpu.memory_space<hbm>> -> memref<64x1024xf32, #tpu.memory_space<hbm>>
    tpu.enqueue_dma source(%arg5 : memref<64x1024xf32, #tpu.memory_space<vmem>>) target(%dma_start3A_107 : memref<64x1024xf32, #tpu.memory_space<hbm>>) target_semaphore(%arg7 : memref<!tpu.dma_semaphore, #tpu.memory_space<semaphore_mem>>)
    %dma_start3A_108 = arith.constant 3 : i32
    %dma_start3A_109 = arith.constant 0 : i32
    %dma_start3A_110 = tpu.memref_slice %arg3[%dma_start3A_108, %add3A_86, %dma_start3A_109] : memref<4x8192x1024xf32, #tpu.memory_space<hbm>> -> memref<1x64x1024xf32, #tpu.memory_space<hbm>>
    %dma_start3A_111 = tpu.memref_squeeze %dma_start3A_110 : memref<1x64x1024xf32, #tpu.memory_space<hbm>> -> memref<64x1024xf32, #tpu.memory_space<hbm>>
    %dma_start3A_112 = arith.constant 0 : i32
    %dma_start3A_113 = tpu.memref_slice %arg3[%dma_start3A_108, %add3A_86, %dma_start3A_112] : memref<4x8192x1024xf32, #tpu.memory_space<hbm>> -> memref<1x64x1024xf32, #tpu.memory_space<hbm>>
    %dma_start3A_114 = tpu.memref_squeeze %dma_start3A_113 : memref<1x64x1024xf32, #tpu.memory_space<hbm>> -> memref<64x1024xf32, #tpu.memory_space<hbm>>
    tpu.enqueue_dma source(%arg5 : memref<64x1024xf32, #tpu.memory_space<vmem>>) target(%dma_start3A_114 : memref<64x1024xf32, #tpu.memory_space<hbm>>) target_semaphore(%arg7 : memref<!tpu.dma_semaphore, #tpu.memory_space<semaphore_mem>>)
    %dma_wait3A_115 = arith.constant 0 : i32
    %dma_wait3A_116 = arith.constant 0 : i32
    %dma_wait3A_117 = tpu.memref_slice %arg3[%dma_wait3A_115, %add3A_86, %dma_wait3A_116] : memref<4x8192x1024xf32, #tpu.memory_space<hbm>> -> memref<1x64x1024xf32, #tpu.memory_space<hbm>>
    %dma_wait3A_118 = tpu.memref_squeeze %dma_wait3A_117 : memref<1x64x1024xf32, #tpu.memory_space<hbm>> -> memref<64x1024xf32, #tpu.memory_space<hbm>>
    %dma_wait3A_119 = arith.constant 0 : i32
    %dma_wait3A_120 = tpu.memref_slice %arg3[%dma_wait3A_115, %add3A_86, %dma_wait3A_119] : memref<4x8192x1024xf32, #tpu.memory_space<hbm>> -> memref<1x64x1024xf32, #tpu.memory_space<hbm>>
    %dma_wait3A_121 = tpu.memref_squeeze %dma_wait3A_120 : memref<1x64x1024xf32, #tpu.memory_space<hbm>> -> memref<64x1024xf32, #tpu.memory_space<hbm>>
    tpu.wait_dma2 semaphore(%arg7 : memref<!tpu.dma_semaphore, #tpu.memory_space<semaphore_mem>>) src(%arg5 : memref<64x1024xf32, #tpu.memory_space<vmem>>) dst(%dma_wait3A_121 : memref<64x1024xf32, #tpu.memory_space<hbm>>)
    %dma_wait3A_122 = arith.constant 1 : i32
    %dma_wait3A_123 = arith.constant 0 : i32
    %dma_wait3A_124 = tpu.memref_slice %arg3[%dma_wait3A_122, %add3A_86, %dma_wait3A_123] : memref<4x8192x1024xf32, #tpu.memory_space<hbm>> -> memref<1x64x1024xf32, #tpu.memory_space<hbm>>
    %dma_wait3A_125 = tpu.memref_squeeze %dma_wait3A_124 : memref<1x64x1024xf32, #tpu.memory_space<hbm>> -> memref<64x1024xf32, #tpu.memory_space<hbm>>
    %dma_wait3A_126 = arith.constant 0 : i32
    %dma_wait3A_127 = tpu.memref_slice %arg3[%dma_wait3A_122, %add3A_86, %dma_wait3A_126] : memref<4x8192x1024xf32, #tpu.memory_space<hbm>> -> memref<1x64x1024xf32, #tpu.memory_space<hbm>>
    %dma_wait3A_128 = tpu.memref_squeeze %dma_wait3A_127 : memref<1x64x1024xf32, #tpu.memory_space<hbm>> -> memref<64x1024xf32, #tpu.memory_space<hbm>>
    tpu.wait_dma2 semaphore(%arg7 : memref<!tpu.dma_semaphore, #tpu.memory_space<semaphore_mem>>) src(%arg5 : memref<64x1024xf32, #tpu.memory_space<vmem>>) dst(%dma_wait3A_128 : memref<64x1024xf32, #tpu.memory_space<hbm>>)
    %dma_wait3A_129 = arith.constant 2 : i32
    %dma_wait3A_130 = arith.constant 0 : i32
    %dma_wait3A_131 = tpu.memref_slice %arg3[%dma_wait3A_129, %add3A_86, %dma_wait3A_130] : memref<4x8192x1024xf32, #tpu.memory_space<hbm>> -> memref<1x64x1024xf32, #tpu.memory_space<hbm>>
    %dma_wait3A_132 = tpu.memref_squeeze %dma_wait3A_131 : memref<1x64x1024xf32, #tpu.memory_space<hbm>> -> memref<64x1024xf32, #tpu.memory_space<hbm>>
    %dma_wait3A_133 = arith.constant 0 : i32
    %dma_wait3A_134 = tpu.memref_slice %arg3[%dma_wait3A_129, %add3A_86, %dma_wait3A_133] : memref<4x8192x1024xf32, #tpu.memory_space<hbm>> -> memref<1x64x1024xf32, #tpu.memory_space<hbm>>
    %dma_wait3A_135 = tpu.memref_squeeze %dma_wait3A_134 : memref<1x64x1024xf32, #tpu.memory_space<hbm>> -> memref<64x1024xf32, #tpu.memory_space<hbm>>
    tpu.wait_dma2 semaphore(%arg7 : memref<!tpu.dma_semaphore, #tpu.memory_space<semaphore_mem>>) src(%arg5 : memref<64x1024xf32, #tpu.memory_space<vmem>>) dst(%dma_wait3A_135 : memref<64x1024xf32, #tpu.memory_space<hbm>>)
    %dma_wait3A_136 = arith.constant 3 : i32
    %dma_wait3A_137 = arith.constant 0 : i32
    %dma_wait3A_138 = tpu.memref_slice %arg3[%dma_wait3A_136, %add3A_86, %dma_wait3A_137] : memref<4x8192x1024xf32, #tpu.memory_space<hbm>> -> memref<1x64x1024xf32, #tpu.memory_space<hbm>>
    %dma_wait3A_139 = tpu.memref_squeeze %dma_wait3A_138 : memref<1x64x1024xf32, #tpu.memory_space<hbm>> -> memref<64x1024xf32, #tpu.memory_space<hbm>>
    %dma_wait3A_140 = arith.constant 0 : i32
    %dma_wait3A_141 = tpu.memref_slice %arg3[%dma_wait3A_136, %add3A_86, %dma_wait3A_140] : memref<4x8192x1024xf32, #tpu.memory_space<hbm>> -> memref<1x64x1024xf32, #tpu.memory_space<hbm>>
    %dma_wait3A_142 = tpu.memref_squeeze %dma_wait3A_141 : memref<1x64x1024xf32, #tpu.memory_space<hbm>> -> memref<64x1024xf32, #tpu.memory_space<hbm>>
    tpu.wait_dma2 semaphore(%arg7 : memref<!tpu.dma_semaphore, #tpu.memory_space<semaphore_mem>>) src(%arg5 : memref<64x1024xf32, #tpu.memory_space<vmem>>) dst(%dma_wait3A_142 : memref<64x1024xf32, #tpu.memory_space<hbm>>)
    %add3A_143 = arith.constant 192 : i32
    %add3A_144 = arith.addi %mul3A_2, %add3A_143 : i32
    %dma_start3A_145 = arith.constant 0 : i32
    %dma_start3A_146 = tpu.memref_slice %arg2[%add3A_144, %dma_start3A_145] : memref<8192x1024xf32, #tpu.memory_space<hbm>> -> memref<64x1024xf32, #tpu.memory_space<hbm>>
    %dma_start3A_147 = arith.constant 0 : i32
    %dma_start3A_148 = tpu.memref_slice %arg2[%add3A_144, %dma_start3A_147] : memref<8192x1024xf32, #tpu.memory_space<hbm>> -> memref<64x1024xf32, #tpu.memory_space<hbm>>
    tpu.enqueue_dma source(%dma_start3A_148 : memref<64x1024xf32, #tpu.memory_space<hbm>>) target(%arg5 : memref<64x1024xf32, #tpu.memory_space<vmem>>) target_semaphore(%arg6 : memref<!tpu.dma_semaphore, #tpu.memory_space<semaphore_mem>>)
    %dma_wait3A_149 = arith.constant 0 : i32
    %dma_wait3A_150 = tpu.memref_slice %arg2[%add3A_76, %dma_wait3A_149] : memref<8192x1024xf32, #tpu.memory_space<hbm>> -> memref<64x1024xf32, #tpu.memory_space<hbm>>
    %dma_wait3A_151 = arith.constant 0 : i32
    %dma_wait3A_152 = tpu.memref_slice %arg2[%add3A_76, %dma_wait3A_151] : memref<8192x1024xf32, #tpu.memory_space<hbm>> -> memref<64x1024xf32, #tpu.memory_space<hbm>>
    tpu.wait_dma2 semaphore(%arg6 : memref<!tpu.dma_semaphore, #tpu.memory_space<semaphore_mem>>) src(%dma_wait3A_152 : memref<64x1024xf32, #tpu.memory_space<hbm>>) dst(%arg4 : memref<64x1024xf32, #tpu.memory_space<vmem>>)
    %add3A_153 = arith.constant 128 : i32
    %add3A_154 = arith.addi %mul3A_2, %add3A_153 : i32
    %dma_start3A_155 = arith.constant 0 : i32
    %dma_start3A_156 = arith.constant 0 : i32
    %dma_start3A_157 = tpu.memref_slice %arg3[%dma_start3A_155, %add3A_154, %dma_start3A_156] : memref<4x8192x1024xf32, #tpu.memory_space<hbm>> -> memref<1x64x1024xf32, #tpu.memory_space<hbm>>
    %dma_start3A_158 = tpu.memref_squeeze %dma_start3A_157 : memref<1x64x1024xf32, #tpu.memory_space<hbm>> -> memref<64x1024xf32, #tpu.memory_space<hbm>>
    %dma_start3A_159 = arith.constant 0 : i32
    %dma_start3A_160 = tpu.memref_slice %arg3[%dma_start3A_155, %add3A_154, %dma_start3A_159] : memref<4x8192x1024xf32, #tpu.memory_space<hbm>> -> memref<1x64x1024xf32, #tpu.memory_space<hbm>>
    %dma_start3A_161 = tpu.memref_squeeze %dma_start3A_160 : memref<1x64x1024xf32, #tpu.memory_space<hbm>> -> memref<64x1024xf32, #tpu.memory_space<hbm>>
    tpu.enqueue_dma source(%arg4 : memref<64x1024xf32, #tpu.memory_space<vmem>>) target(%dma_start3A_161 : memref<64x1024xf32, #tpu.memory_space<hbm>>) target_semaphore(%arg7 : memref<!tpu.dma_semaphore, #tpu.memory_space<semaphore_mem>>)
    %dma_start3A_162 = arith.constant 1 : i32
    %dma_start3A_163 = arith.constant 0 : i32
    %dma_start3A_164 = tpu.memref_slice %arg3[%dma_start3A_162, %add3A_154, %dma_start3A_163] : memref<4x8192x1024xf32, #tpu.memory_space<hbm>> -> memref<1x64x1024xf32, #tpu.memory_space<hbm>>
    %dma_start3A_165 = tpu.memref_squeeze %dma_start3A_164 : memref<1x64x1024xf32, #tpu.memory_space<hbm>> -> memref<64x1024xf32, #tpu.memory_space<hbm>>
    %dma_start3A_166 = arith.constant 0 : i32
    %dma_start3A_167 = tpu.memref_slice %arg3[%dma_start3A_162, %add3A_154, %dma_start3A_166] : memref<4x8192x1024xf32, #tpu.memory_space<hbm>> -> memref<1x64x1024xf32, #tpu.memory_space<hbm>>
    %dma_start3A_168 = tpu.memref_squeeze %dma_start3A_167 : memref<1x64x1024xf32, #tpu.memory_space<hbm>> -> memref<64x1024xf32, #tpu.memory_space<hbm>>
    tpu.enqueue_dma source(%arg4 : memref<64x1024xf32, #tpu.memory_space<vmem>>) target(%dma_start3A_168 : memref<64x1024xf32, #tpu.memory_space<hbm>>) target_semaphore(%arg7 : memref<!tpu.dma_semaphore, #tpu.memory_space<semaphore_mem>>)
    %dma_start3A_169 = arith.constant 2 : i32
    %dma_start3A_170 = arith.constant 0 : i32
    %dma_start3A_171 = tpu.memref_slice %arg3[%dma_start3A_169, %add3A_154, %dma_start3A_170] : memref<4x8192x1024xf32, #tpu.memory_space<hbm>> -> memref<1x64x1024xf32, #tpu.memory_space<hbm>>
    %dma_start3A_172 = tpu.memref_squeeze %dma_start3A_171 : memref<1x64x1024xf32, #tpu.memory_space<hbm>> -> memref<64x1024xf32, #tpu.memory_space<hbm>>
    %dma_start3A_173 = arith.constant 0 : i32
    %dma_start3A_174 = tpu.memref_slice %arg3[%dma_start3A_169, %add3A_154, %dma_start3A_173] : memref<4x8192x1024xf32, #tpu.memory_space<hbm>> -> memref<1x64x1024xf32, #tpu.memory_space<hbm>>
    %dma_start3A_175 = tpu.memref_squeeze %dma_start3A_174 : memref<1x64x1024xf32, #tpu.memory_space<hbm>> -> memref<64x1024xf32, #tpu.memory_space<hbm>>
    tpu.enqueue_dma source(%arg4 : memref<64x1024xf32, #tpu.memory_space<vmem>>) target(%dma_start3A_175 : memref<64x1024xf32, #tpu.memory_space<hbm>>) target_semaphore(%arg7 : memref<!tpu.dma_semaphore, #tpu.memory_space<semaphore_mem>>)
    %dma_start3A_176 = arith.constant 3 : i32
    %dma_start3A_177 = arith.constant 0 : i32
    %dma_start3A_178 = tpu.memref_slice %arg3[%dma_start3A_176, %add3A_154, %dma_start3A_177] : memref<4x8192x1024xf32, #tpu.memory_space<hbm>> -> memref<1x64x1024xf32, #tpu.memory_space<hbm>>
    %dma_start3A_179 = tpu.memref_squeeze %dma_start3A_178 : memref<1x64x1024xf32, #tpu.memory_space<hbm>> -> memref<64x1024xf32, #tpu.memory_space<hbm>>
    %dma_start3A_180 = arith.constant 0 : i32
    %dma_start3A_181 = tpu.memref_slice %arg3[%dma_start3A_176, %add3A_154, %dma_start3A_180] : memref<4x8192x1024xf32, #tpu.memory_space<hbm>> -> memref<1x64x1024xf32, #tpu.memory_space<hbm>>
    %dma_start3A_182 = tpu.memref_squeeze %dma_start3A_181 : memref<1x64x1024xf32, #tpu.memory_space<hbm>> -> memref<64x1024xf32, #tpu.memory_space<hbm>>
    tpu.enqueue_dma source(%arg4 : memref<64x1024xf32, #tpu.memory_space<vmem>>) target(%dma_start3A_182 : memref<64x1024xf32, #tpu.memory_space<hbm>>) target_semaphore(%arg7 : memref<!tpu.dma_semaphore, #tpu.memory_space<semaphore_mem>>)
    %dma_wait3A_183 = arith.constant 0 : i32
    %dma_wait3A_184 = tpu.memref_slice %arg2[%add3A_144, %dma_wait3A_183] : memref<8192x1024xf32, #tpu.memory_space<hbm>> -> memref<64x1024xf32, #tpu.memory_space<hbm>>
    %dma_wait3A_185 = arith.constant 0 : i32
    %dma_wait3A_186 = tpu.memref_slice %arg2[%add3A_144, %dma_wait3A_185] : memref<8192x1024xf32, #tpu.memory_space<hbm>> -> memref<64x1024xf32, #tpu.memory_space<hbm>>
    tpu.wait_dma2 semaphore(%arg6 : memref<!tpu.dma_semaphore, #tpu.memory_space<semaphore_mem>>) src(%dma_wait3A_186 : memref<64x1024xf32, #tpu.memory_space<hbm>>) dst(%arg5 : memref<64x1024xf32, #tpu.memory_space<vmem>>)
    %add3A_187 = arith.constant 192 : i32
    %add3A_188 = arith.addi %mul3A_2, %add3A_187 : i32
    %dma_start3A_189 = arith.constant 0 : i32
    %dma_start3A_190 = arith.constant 0 : i32
    %dma_start3A_191 = tpu.memref_slice %arg3[%dma_start3A_189, %add3A_188, %dma_start3A_190] : memref<4x8192x1024xf32, #tpu.memory_space<hbm>> -> memref<1x64x1024xf32, #tpu.memory_space<hbm>>
    %dma_start3A_192 = tpu.memref_squeeze %dma_start3A_191 : memref<1x64x1024xf32, #tpu.memory_space<hbm>> -> memref<64x1024xf32, #tpu.memory_space<hbm>>
    %dma_start3A_193 = arith.constant 0 : i32
    %dma_start3A_194 = tpu.memref_slice %arg3[%dma_start3A_189, %add3A_188, %dma_start3A_193] : memref<4x8192x1024xf32, #tpu.memory_space<hbm>> -> memref<1x64x1024xf32, #tpu.memory_space<hbm>>
    %dma_start3A_195 = tpu.memref_squeeze %dma_start3A_194 : memref<1x64x1024xf32, #tpu.memory_space<hbm>> -> memref<64x1024xf32, #tpu.memory_space<hbm>>
    tpu.enqueue_dma source(%arg5 : memref<64x1024xf32, #tpu.memory_space<vmem>>) target(%dma_start3A_195 : memref<64x1024xf32, #tpu.memory_space<hbm>>) target_semaphore(%arg7 : memref<!tpu.dma_semaphore, #tpu.memory_space<semaphore_mem>>)
    %dma_start3A_196 = arith.constant 1 : i32
    %dma_start3A_197 = arith.constant 0 : i32
    %dma_start3A_198 = tpu.memref_slice %arg3[%dma_start3A_196, %add3A_188, %dma_start3A_197] : memref<4x8192x1024xf32, #tpu.memory_space<hbm>> -> memref<1x64x1024xf32, #tpu.memory_space<hbm>>
    %dma_start3A_199 = tpu.memref_squeeze %dma_start3A_198 : memref<1x64x1024xf32, #tpu.memory_space<hbm>> -> memref<64x1024xf32, #tpu.memory_space<hbm>>
    %dma_start3A_200 = arith.constant 0 : i32
    %dma_start3A_201 = tpu.memref_slice %arg3[%dma_start3A_196, %add3A_188, %dma_start3A_200] : memref<4x8192x1024xf32, #tpu.memory_space<hbm>> -> memref<1x64x1024xf32, #tpu.memory_space<hbm>>
    %dma_start3A_202 = tpu.memref_squeeze %dma_start3A_201 : memref<1x64x1024xf32, #tpu.memory_space<hbm>> -> memref<64x1024xf32, #tpu.memory_space<hbm>>
    tpu.enqueue_dma source(%arg5 : memref<64x1024xf32, #tpu.memory_space<vmem>>) target(%dma_start3A_202 : memref<64x1024xf32, #tpu.memory_space<hbm>>) target_semaphore(%arg7 : memref<!tpu.dma_semaphore, #tpu.memory_space<semaphore_mem>>)
    %dma_start3A_203 = arith.constant 2 : i32
    %dma_start3A_204 = arith.constant 0 : i32
    %dma_start3A_205 = tpu.memref_slice %arg3[%dma_start3A_203, %add3A_188, %dma_start3A_204] : memref<4x8192x1024xf32, #tpu.memory_space<hbm>> -> memref<1x64x1024xf32, #tpu.memory_space<hbm>>
    %dma_start3A_206 = tpu.memref_squeeze %dma_start3A_205 : memref<1x64x1024xf32, #tpu.memory_space<hbm>> -> memref<64x1024xf32, #tpu.memory_space<hbm>>
    %dma_start3A_207 = arith.constant 0 : i32
    %dma_start3A_208 = tpu.memref_slice %arg3[%dma_start3A_203, %add3A_188, %dma_start3A_207] : memref<4x8192x1024xf32, #tpu.memory_space<hbm>> -> memref<1x64x1024xf32, #tpu.memory_space<hbm>>
    %dma_start3A_209 = tpu.memref_squeeze %dma_start3A_208 : memref<1x64x1024xf32, #tpu.memory_space<hbm>> -> memref<64x1024xf32, #tpu.memory_space<hbm>>
    tpu.enqueue_dma source(%arg5 : memref<64x1024xf32, #tpu.memory_space<vmem>>) target(%dma_start3A_209 : memref<64x1024xf32, #tpu.memory_space<hbm>>) target_semaphore(%arg7 : memref<!tpu.dma_semaphore, #tpu.memory_space<semaphore_mem>>)
    %dma_start3A_210 = arith.constant 3 : i32
    %dma_start3A_211 = arith.constant 0 : i32
    %dma_start3A_212 = tpu.memref_slice %arg3[%dma_start3A_210, %add3A_188, %dma_start3A_211] : memref<4x8192x1024xf32, #tpu.memory_space<hbm>> -> memref<1x64x1024xf32, #tpu.memory_space<hbm>>
    %dma_start3A_213 = tpu.memref_squeeze %dma_start3A_212 : memref<1x64x1024xf32, #tpu.memory_space<hbm>> -> memref<64x1024xf32, #tpu.memory_space<hbm>>
    %dma_start3A_214 = arith.constant 0 : i32
    %dma_start3A_215 = tpu.memref_slice %arg3[%dma_start3A_210, %add3A_188, %dma_start3A_214] : memref<4x8192x1024xf32, #tpu.memory_space<hbm>> -> memref<1x64x1024xf32, #tpu.memory_space<hbm>>
    %dma_start3A_216 = tpu.memref_squeeze %dma_start3A_215 : memref<1x64x1024xf32, #tpu.memory_space<hbm>> -> memref<64x1024xf32, #tpu.memory_space<hbm>>
    tpu.enqueue_dma source(%arg5 : memref<64x1024xf32, #tpu.memory_space<vmem>>) target(%dma_start3A_216 : memref<64x1024xf32, #tpu.memory_space<hbm>>) target_semaphore(%arg7 : memref<!tpu.dma_semaphore, #tpu.memory_space<semaphore_mem>>)
    %dma_wait3A_217 = arith.constant 0 : i32
    %dma_wait3A_218 = arith.constant 0 : i32
    %dma_wait3A_219 = tpu.memref_slice %arg3[%dma_wait3A_217, %add3A_154, %dma_wait3A_218] : memref<4x8192x1024xf32, #tpu.memory_space<hbm>> -> memref<1x64x1024xf32, #tpu.memory_space<hbm>>
    %dma_wait3A_220 = tpu.memref_squeeze %dma_wait3A_219 : memref<1x64x1024xf32, #tpu.memory_space<hbm>> -> memref<64x1024xf32, #tpu.memory_space<hbm>>
    %dma_wait3A_221 = arith.constant 0 : i32
    %dma_wait3A_222 = tpu.memref_slice %arg3[%dma_wait3A_217, %add3A_154, %dma_wait3A_221] : memref<4x8192x1024xf32, #tpu.memory_space<hbm>> -> memref<1x64x1024xf32, #tpu.memory_space<hbm>>
    %dma_wait3A_223 = tpu.memref_squeeze %dma_wait3A_222 : memref<1x64x1024xf32, #tpu.memory_space<hbm>> -> memref<64x1024xf32, #tpu.memory_space<hbm>>
    tpu.wait_dma2 semaphore(%arg7 : memref<!tpu.dma_semaphore, #tpu.memory_space<semaphore_mem>>) src(%arg4 : memref<64x1024xf32, #tpu.memory_space<vmem>>) dst(%dma_wait3A_223 : memref<64x1024xf32, #tpu.memory_space<hbm>>)
    %dma_wait3A_224 = arith.constant 1 : i32
    %dma_wait3A_225 = arith.constant 0 : i32
    %dma_wait3A_226 = tpu.memref_slice %arg3[%dma_wait3A_224, %add3A_154, %dma_wait3A_225] : memref<4x8192x1024xf32, #tpu.memory_space<hbm>> -> memref<1x64x1024xf32, #tpu.memory_space<hbm>>
    %dma_wait3A_227 = tpu.memref_squeeze %dma_wait3A_226 : memref<1x64x1024xf32, #tpu.memory_space<hbm>> -> memref<64x1024xf32, #tpu.memory_space<hbm>>
    %dma_wait3A_228 = arith.constant 0 : i32
    %dma_wait3A_229 = tpu.memref_slice %arg3[%dma_wait3A_224, %add3A_154, %dma_wait3A_228] : memref<4x8192x1024xf32, #tpu.memory_space<hbm>> -> memref<1x64x1024xf32, #tpu.memory_space<hbm>>
    %dma_wait3A_230 = tpu.memref_squeeze %dma_wait3A_229 : memref<1x64x1024xf32, #tpu.memory_space<hbm>> -> memref<64x1024xf32, #tpu.memory_space<hbm>>
    tpu.wait_dma2 semaphore(%arg7 : memref<!tpu.dma_semaphore, #tpu.memory_space<semaphore_mem>>) src(%arg4 : memref<64x1024xf32, #tpu.memory_space<vmem>>) dst(%dma_wait3A_230 : memref<64x1024xf32, #tpu.memory_space<hbm>>)
    %dma_wait3A_231 = arith.constant 2 : i32
    %dma_wait3A_232 = arith.constant 0 : i32
    %dma_wait3A_233 = tpu.memref_slice %arg3[%dma_wait3A_231, %add3A_154, %dma_wait3A_232] : memref<4x8192x1024xf32, #tpu.memory_space<hbm>> -> memref<1x64x1024xf32, #tpu.memory_space<hbm>>
    %dma_wait3A_234 = tpu.memref_squeeze %dma_wait3A_233 : memref<1x64x1024xf32, #tpu.memory_space<hbm>> -> memref<64x1024xf32, #tpu.memory_space<hbm>>
    %dma_wait3A_235 = arith.constant 0 : i32
    %dma_wait3A_236 = tpu.memref_slice %arg3[%dma_wait3A_231, %add3A_154, %dma_wait3A_235] : memref<4x8192x1024xf32, #tpu.memory_space<hbm>> -> memref<1x64x1024xf32, #tpu.memory_space<hbm>>
    %dma_wait3A_237 = tpu.memref_squeeze %dma_wait3A_236 : memref<1x64x1024xf32, #tpu.memory_space<hbm>> -> memref<64x1024xf32, #tpu.memory_space<hbm>>
    tpu.wait_dma2 semaphore(%arg7 : memref<!tpu.dma_semaphore, #tpu.memory_space<semaphore_mem>>) src(%arg4 : memref<64x1024xf32, #tpu.memory_space<vmem>>) dst(%dma_wait3A_237 : memref<64x1024xf32, #tpu.memory_space<hbm>>)
    %dma_wait3A_238 = arith.constant 3 : i32
    %dma_wait3A_239 = arith.constant 0 : i32
    %dma_wait3A_240 = tpu.memref_slice %arg3[%dma_wait3A_238, %add3A_154, %dma_wait3A_239] : memref<4x8192x1024xf32, #tpu.memory_space<hbm>> -> memref<1x64x1024xf32, #tpu.memory_space<hbm>>
    %dma_wait3A_241 = tpu.memref_squeeze %dma_wait3A_240 : memref<1x64x1024xf32, #tpu.memory_space<hbm>> -> memref<64x1024xf32, #tpu.memory_space<hbm>>
    %dma_wait3A_242 = arith.constant 0 : i32
    %dma_wait3A_243 = tpu.memref_slice %arg3[%dma_wait3A_238, %add3A_154, %dma_wait3A_242] : memref<4x8192x1024xf32, #tpu.memory_space<hbm>> -> memref<1x64x1024xf32, #tpu.memory_space<hbm>>
    %dma_wait3A_244 = tpu.memref_squeeze %dma_wait3A_243 : memref<1x64x1024xf32, #tpu.memory_space<hbm>> -> memref<64x1024xf32, #tpu.memory_space<hbm>>
    tpu.wait_dma2 semaphore(%arg7 : memref<!tpu.dma_semaphore, #tpu.memory_space<semaphore_mem>>) src(%arg4 : memref<64x1024xf32, #tpu.memory_space<vmem>>) dst(%dma_wait3A_244 : memref<64x1024xf32, #tpu.memory_space<hbm>>)
    %dma_wait3A_245 = arith.constant 0 : i32
    %dma_wait3A_246 = arith.constant 0 : i32
    %dma_wait3A_247 = tpu.memref_slice %arg3[%dma_wait3A_245, %add3A_188, %dma_wait3A_246] : memref<4x8192x1024xf32, #tpu.memory_space<hbm>> -> memref<1x64x1024xf32, #tpu.memory_space<hbm>>
    %dma_wait3A_248 = tpu.memref_squeeze %dma_wait3A_247 : memref<1x64x1024xf32, #tpu.memory_space<hbm>> -> memref<64x1024xf32, #tpu.memory_space<hbm>>
    %dma_wait3A_249 = arith.constant 0 : i32
    %dma_wait3A_250 = tpu.memref_slice %arg3[%dma_wait3A_245, %add3A_188, %dma_wait3A_249] : memref<4x8192x1024xf32, #tpu.memory_space<hbm>> -> memref<1x64x1024xf32, #tpu.memory_space<hbm>>
    %dma_wait3A_251 = tpu.memref_squeeze %dma_wait3A_250 : memref<1x64x1024xf32, #tpu.memory_space<hbm>> -> memref<64x1024xf32, #tpu.memory_space<hbm>>
    tpu.wait_dma2 semaphore(%arg7 : memref<!tpu.dma_semaphore, #tpu.memory_space<semaphore_mem>>) src(%arg5 : memref<64x1024xf32, #tpu.memory_space<vmem>>) dst(%dma_wait3A_251 : memref<64x1024xf32, #tpu.memory_space<hbm>>)
    %dma_wait3A_252 = arith.constant 1 : i32
    %dma_wait3A_253 = arith.constant 0 : i32
    %dma_wait3A_254 = tpu.memref_slice %arg3[%dma_wait3A_252, %add3A_188, %dma_wait3A_253] : memref<4x8192x1024xf32, #tpu.memory_space<hbm>> -> memref<1x64x1024xf32, #tpu.memory_space<hbm>>
    %dma_wait3A_255 = tpu.memref_squeeze %dma_wait3A_254 : memref<1x64x1024xf32, #tpu.memory_space<hbm>> -> memref<64x1024xf32, #tpu.memory_space<hbm>>
    %dma_wait3A_256 = arith.constant 0 : i32
    %dma_wait3A_257 = tpu.memref_slice %arg3[%dma_wait3A_252, %add3A_188, %dma_wait3A_256] : memref<4x8192x1024xf32, #tpu.memory_space<hbm>> -> memref<1x64x1024xf32, #tpu.memory_space<hbm>>
    %dma_wait3A_258 = tpu.memref_squeeze %dma_wait3A_257 : memref<1x64x1024xf32, #tpu.memory_space<hbm>> -> memref<64x1024xf32, #tpu.memory_space<hbm>>
    tpu.wait_dma2 semaphore(%arg7 : memref<!tpu.dma_semaphore, #tpu.memory_space<semaphore_mem>>) src(%arg5 : memref<64x1024xf32, #tpu.memory_space<vmem>>) dst(%dma_wait3A_258 : memref<64x1024xf32, #tpu.memory_space<hbm>>)
    %dma_wait3A_259 = arith.constant 2 : i32
    %dma_wait3A_260 = arith.constant 0 : i32
    %dma_wait3A_261 = tpu.memref_slice %arg3[%dma_wait3A_259, %add3A_188, %dma_wait3A_260] : memref<4x8192x1024xf32, #tpu.memory_space<hbm>> -> memref<1x64x1024xf32, #tpu.memory_space<hbm>>
    %dma_wait3A_262 = tpu.memref_squeeze %dma_wait3A_261 : memref<1x64x1024xf32, #tpu.memory_space<hbm>> -> memref<64x1024xf32, #tpu.memory_space<hbm>>
    %dma_wait3A_263 = arith.constant 0 : i32
    %dma_wait3A_264 = tpu.memref_slice %arg3[%dma_wait3A_259, %add3A_188, %dma_wait3A_263] : memref<4x8192x1024xf32, #tpu.memory_space<hbm>> -> memref<1x64x1024xf32, #tpu.memory_space<hbm>>
    %dma_wait3A_265 = tpu.memref_squeeze %dma_wait3A_264 : memref<1x64x1024xf32, #tpu.memory_space<hbm>> -> memref<64x1024xf32, #tpu.memory_space<hbm>>
    tpu.wait_dma2 semaphore(%arg7 : memref<!tpu.dma_semaphore, #tpu.memory_space<semaphore_mem>>) src(%arg5 : memref<64x1024xf32, #tpu.memory_space<vmem>>) dst(%dma_wait3A_265 : memref<64x1024xf32, #tpu.memory_space<hbm>>)
    %dma_wait3A_266 = arith.constant 3 : i32
    %dma_wait3A_267 = arith.constant 0 : i32
    %dma_wait3A_268 = tpu.memref_slice %arg3[%dma_wait3A_266, %add3A_188, %dma_wait3A_267] : memref<4x8192x1024xf32, #tpu.memory_space<hbm>> -> memref<1x64x1024xf32, #tpu.memory_space<hbm>>
    %dma_wait3A_269 = tpu.memref_squeeze %dma_wait3A_268 : memref<1x64x1024xf32, #tpu.memory_space<hbm>> -> memref<64x1024xf32, #tpu.memory_space<hbm>>
    %dma_wait3A_270 = arith.constant 0 : i32
    %dma_wait3A_271 = tpu.memref_slice %arg3[%dma_wait3A_266, %add3A_188, %dma_wait3A_270] : memref<4x8192x1024xf32, #tpu.memory_space<hbm>> -> memref<1x64x1024xf32, #tpu.memory_space<hbm>>
    %dma_wait3A_272 = tpu.memref_squeeze %dma_wait3A_271 : memref<1x64x1024xf32, #tpu.memory_space<hbm>> -> memref<64x1024xf32, #tpu.memory_space<hbm>>
    tpu.wait_dma2 semaphore(%arg7 : memref<!tpu.dma_semaphore, #tpu.memory_space<semaphore_mem>>) src(%arg5 : memref<64x1024xf32, #tpu.memory_space<vmem>>) dst(%dma_wait3A_272 : memref<64x1024xf32, #tpu.memory_space<hbm>>)
    return
  }
}

</mosaic_0001>

<sc_bundles>
// kernel: kernel.3.cloned.1.call-start
scs
__scs_entry_jumppad:
0x0: {  	(pc) =	sbr.rel $0x88, $3  }
0x1: {  	(tag) =	ssettag $0x0;
	lr =	simm.s32 $0x1  }
0x2: {  	[smem:$0x3FA0] =	sst lr;
	_ =	strace $0xD0000000  }
0x3: {  	_ = 	snop  }
0x4: {  	_ = 	snop  }
0x5: {  	_ = 	snop  }
0x6: {  	_ = 	snop  }
0x7: {  	_ = 	snop  }
__scs_overlays_trampoline_lowered:
0x8: {  	[smem:$0x3FAF] =	sst s0  }
0x9: {  	[smem:$0x3FB0] =	sst s1  }
0xa: {  	[smem:$0x3FB1] =	sst s2  }
0xb: {  	[smem:$0x3FB2] =	sst s3  }
0xc: {  	[smem:$0x3FB3] =	sst s4  }
0xd: {  	[smem:$0x3FB4] =	sst s5  }
0xe: {  	[smem:$0x3FB5] =	sst s6  }
0xf: {  	[smem:$0x3FB6] =	sst s7  }
0x10: {  	[smem:$0x3FB7] =	sst s8  }
0x11: {  	[smem:$0x3FB8] =	sst s9;
	s0 =	simm.s32 @!p0 $0x0  }
0x12: {  	s1 =	sld [smem:$0x3F9E];
	s0 =	simm.s32 @p0 $0x1  }
0x13: {  	[smem:$0x3FB9] =	sst s0;
	s0 =	simm.s32 @!p1 $0x0  }
0x14: {  	s2 =	sld [smem:$0x3F9D];
	s0 =	simm.s32 @p1 $0x1  }
0x15: {  	[smem:$0x3FBA] =	sst s0;
	s0 =	simm.s32 @!p2 $0x0  }
0x16: {  	s3 =	sld [smem:$0x3FDB];
	s0 =	simm.s32 @p2 $0x1  }
0x17: {  	s4 =	simm.s32 $0x1BF5;
	[smem:$0x3FBC] =	sst s0  }
0x18: {  	s0 =	sld [smem:$0x3F9F];
	_ =	swait.ge [sflag:s4], $0x0  }
0x19: {  	s7 =	sld [smem:$0x3FA0]  }
0x1a: {  	s8 =	sadd.s32 $0xFFFFE003, lr  }
0x1b: {  	s9 =	sadd.s32 $0xFFFFFEF7, lr;
	s5 =	simm.s32 $0xFFFFFFFF;
	p2 =	slt.u32 s8, $0xFFFFF086  }
0x1c: {  	p1 =	slt.u32 s9, $0xF7A;
	s5 =	simm.s32 @!p2 $0x0  }
0x1d: {  	s5 =	simm.s32 @p1 $0x1;
	p0 =	seq.s32 s7, s2  }
0x1e: {  	s7 =	smul.u32 @!p0 $0xF7A, s2;
	p2 =	seq.s32 @!p0 s5, $0x0  }
0x1f: {  	s9 =	smul.u32 $0xF7A, s1;
	s8 =	simm.s32 @!p0 $0x1BF5;
	p2 =	por !p2, p0  }
0x20: {  	[sflag:s8] =	ssyncset.s32 @!p0 $0xFFFFF086;
	s6 =	sadd.s32 @!p0 s3, s7;
	s7 =	simm.s32 @!p0 $0x108  }
0x21: {  	s3 =	sadd.s32 s3, s9;
	s6 =	sadd.s32 @!p0 $0x88, s6;
	s7 =	simm.s32 @p2 $0x1082  }
0x22: {  	[simem:s7], [sflag:s8] =	dma.local @!p0 [hbm:s6], $0xF7A  }
0x23: {  	s9 =	sor.u32 $0xD0000000, s2;
	s6 =	simm.s32 $0x108;
	_ =	swait.ge @!p0 [sflag:s8], $0x0  }
0x24: {  	s3 =	sadd.s32 $0x88, s3;
	s6 =	simm.s32 @!p1 $0x1082;
	[sflag:s4] =	ssyncset.s32 $0xFFFFF086  }
0x25: {  	[simem:s6], [sflag:s4] =	dma.local [hbm:s3], $0xF7A  }
0x26: {  	[smem:$0x3FA0] =	sst s1;
	(tag) =	ssettag s2;
	_ =	strace s9  }
0x27: {  	s1 =	sld [smem:$0x3FB0]  }
0x28: {  	s2 =	sld [smem:$0x3FB1]  }
0x29: {  	s4 =	sld [smem:$0x3FB3]  }
0x2a: {  	p0 =	seq.s32 s5, $0x0;
	s5 =	sld [smem:$0x3FB4]  }
0x2b: {  	s6 =	sld [smem:$0x3FB5]  }
0x2c: {  	s7 =	sld [smem:$0x3FB6]  }
0x2d: {  	s3 =	simm.s32 $0x108;
	s8 =	sld [smem:$0x3FB7]  }
0x2e: {  	s3 =	simm.s32 @!p0 $0x1082;
	s9 =	sld [smem:$0x3FB8]  }
0x2f: {  	lr =	sadd.s32 s0, s3;
	s0 =	sld [smem:$0x3FAF]  }
0x30: {  	s3 =	sld [smem:$0x3FB2]  }
0x31: {  	[smem:$0x3FBB] =	sst s10  }
0x32: {  	s10 =	sld [smem:$0x3FB9];
	_ =	sdelay $0x3  }
0x33: {  	p0 =	seq.s32 s10, $0x1;
	s10 =	sld [smem:$0x3FBB];
	_ =	sdelay $0x3  }
0x34: {  	[smem:$0x3FBB] =	sst s10  }
0x35: {  	s10 =	sld [smem:$0x3FBA];
	_ =	sdelay $0x3  }
0x36: {  	p1 =	seq.s32 s10, $0x1;
	s10 =	sld [smem:$0x3FBB];
	_ =	sdelay $0x3  }
0x37: {  	[smem:$0x3FBB] =	sst s10  }
0x38: {  	s10 =	sld [smem:$0x3FBC]  }
0x39: {  	_ = 	snop;
	(pc) =	sbr.ind lr, $3  }
0x3a: {  	_ = 	snop  }
0x3b: {  	_ = 	snop  }
0x3c: {  	p2 =	seq.s32 s10, $0x1;
	s10 =	sld [smem:$0x3FBB]  }
0x3d: {  	_ =	shalt  }
0x3e: {  	_ =	shalt  }
0x3f: {  	_ =	shalt  }
0x40: {  	_ =	shalt  }
0x41: {  	_ =	shalt  }
0x42: {  	_ =	shalt  }
0x43: {  	_ =	shalt  }
0x44: {  	_ =	shalt  }
0x45: {  	_ =	shalt  }
0x46: {  	_ =	shalt  }
0x47: {  	_ =	shalt  }
0x48: {  	_ =	shalt  }
0x49: {  	_ =	shalt  }
0x4a: {  	_ =	shalt  }
0x4b: {  	_ =	shalt  }
0x4c: {  	_ =	shalt  }
0x4d: {  	_ =	shalt  }
0x4e: {  	_ =	shalt  }
0x4f: {  	_ =	shalt  }
0x50: {  	_ =	shalt  }
0x51: {  	_ =	shalt  }
0x52: {  	_ =	shalt  }
0x53: {  	_ =	shalt  }
0x54: {  	_ =	shalt  }
0x55: {  	_ =	shalt  }
0x56: {  	_ =	shalt  }
0x57: {  	_ =	shalt  }
0x58: {  	_ =	shalt  }
0x59: {  	_ =	shalt  }
0x5a: {  	_ =	shalt  }
0x5b: {  	_ =	shalt  }
0x5c: {  	_ =	shalt  }
0x5d: {  	_ =	shalt  }
0x5e: {  	_ =	shalt  }
0x5f: {  	_ =	shalt  }
0x60: {  	_ =	shalt  }
0x61: {  	_ =	shalt  }
0x62: {  	_ =	shalt  }
0x63: {  	_ =	shalt  }
0x64: {  	_ =	shalt  }
0x65: {  	_ =	shalt  }
0x66: {  	_ =	shalt  }
0x67: {  	_ =	shalt  }
0x68: {  	_ =	shalt  }
0x69: {  	_ =	shalt  }
0x6a: {  	_ =	shalt  }
0x6b: {  	_ =	shalt  }
0x6c: {  	_ =	shalt  }
0x6d: {  	_ =	shalt  }
0x6e: {  	_ =	shalt  }
0x6f: {  	_ =	shalt  }
0x70: {  	_ =	shalt  }
0x71: {  	_ =	shalt  }
0x72: {  	_ =	shalt  }
0x73: {  	_ =	shalt  }
0x74: {  	_ =	shalt  }
0x75: {  	_ =	shalt  }
0x76: {  	_ =	shalt  }
0x77: {  	_ =	shalt  }
0x78: {  	_ =	shalt  }
0x79: {  	_ =	shalt  }
0x7a: {  	_ =	shalt  }
0x7b: {  	_ =	shalt  }
0x7c: {  	_ =	shalt  }
0x7d: {  	_ =	shalt  }
0x7e: {  	_ =	shalt  }
0x7f: {  	_ =	shalt  }
0x80: {  	_ =	shalt  }
0x81: {  	_ =	shalt  }
0x82: {  	_ =	shalt  }
0x83: {  	_ =	shalt  }
0x84: {  	_ =	shalt  }
0x85: {  	_ =	shalt  }
0x86: {  	_ =	shalt  }
0x87: {  	_ =	shalt  }
.Lfunc_end0:
.L_simem_size_0:
called_computation_lowered:
.L_overlay_start_0:
0x88: {  	s2 =	sld [smem:$0x3FD9]  }
0x89: {  	s3 =	sld [smem:$0x3FFE];
	_ =	sdelay $0x1  }
0x8a: {  	s1 =	srdreg.scid  }
0x8b: {  	s0 =	sand.u32 $0x1, s1  }
0x8c: {  	s18 =	sshll.u32 s0, $0xA;
	s2 =	sadd.s32 s3, s2  }
0x8d: {  	s2 =	sadd.s32 s2, s18  }
0x8e: {  	[smem:$0x3FC7] =	sst s2  }
0x8f: {  	_ = 	snop  }
0x90: {  	s2 =	sld [smem:$0x3FC9]  }
0x91: {  	s19 =	sld [smem:$0x3FD0];
	(tm) =	ssettm $0x1  }
0x92: {  	s4 =	sld [smem:$0x3FFB];
	_ =	sdelay $0x3  }
0x93: {  	_ =	strace s4  }
0x94: {  	s4 =	sld [smem:$0x3FFC];
	_ =	sdelay $0x3  }
0x95: {  	_ =	strace s4  }
0x96: {  	s4 =	sld [smem:$0x3FFD];
	_ =	sdelay $0x3  }
0x97: {  	_ =	strace s4  }
0x98: {  	_ =	strace $0x8FFFFFFF  }
0x99: {  	s20 =	sld [smem:$0x3FDB];
	_ =	sdelay $0x1  }
0x9a: {  	s5 =	simm.s32 $_scs_section_size  }
0x9b: {  	s6 =	simm.s32 $_size__tile_overlayer_lowered;
	s7 =	simm.s32 $_tile_overlayer_lowered  }
0x9c: {  	s23 =	simm.s32 $0x1BFF;
	s22 =	sshll.u32 s7, $0x1;
	s4 =	sadd.s32 s5, s20  }
0x9d: {  	s8 =	simm.s32 $0x0;
	s21 =	sshll.u32 s6, $0x1;
	s6 =	sadd.s32 s22, s4  }
0x9e: {  	[timem:s8], [sflag:s23] =	dma.local [hbm:s6], s21  }
0x9f: {  	_ =	swait.ge [sflag:s23], s21  }
0xa0: {  	s5 =	ssub.s32 $0x0, s21;
	[sflag:s23] =	ssyncset.done $0x0  }
0xa1: {  	[sflag:s23] =	ssyncadd.s32 s5;
	_ =	sdelay $0x1  }
0xa2: {  	s24 =	simm.s32 $0x1B8B  }
0xa3: {  	_ =	swait.ge [sflag:s24], $0x1  }
0xa4: {  	[sflag:s24] =	ssyncset.done $0x0  }
0xa5: {  	s25 =	simm.s32 $0x1B8E;
	[sflag:s24] =	ssyncadd.s32 $0xFFFFFFFF  }
0xa6: {  	s26 =	simm.s32 $execute0_lowered;
	[smem:$0x3FD2] =	sst s25  }
0xa7: {  	s5 =	sshll.u32 s26, $0x1;
	_ =	strace $0x80000046;
	[dreg:$0x1] =	wrdreg $0xFFFFFFFF  }
0xa8: {  	s28 =	simm.s32 $_size_execute0_lowered;
	s4 =	sadd.s32 s4, s5;
	[dreg:$0x0] =	wrdreg $0x0  }
0xa9: {  	s5 =	sshll.u32 s28, $0x1;
	[dreg:$0x2] =	wrdreg s4  }
0xaa: {  	[dreg:$0x3] =	wrdreg s5  }
0xab: {  	[dreg:$0x4] =	wrdreg $0xC0  }
0xac: {  	_ =	task [dreg:s8], $0x5FFFF  }
0xad: {  	[dreg:$0x1] =	wrdreg $0xFFFFFFFF  }
0xae: {  	[dreg:$0x0] =	wrdreg $0x60  }
0xaf: {  	[dreg:$0x2] =	wrdreg s2  }
0xb0: {  	[dreg:$0x3] =	wrdreg s19  }
0xb1: {  	[dreg:$0x4] =	wrdreg $0x9  }
0xb2: {  	_ =	task.clear_ibuf [dreg:s8], $0x5FFFF;
	_ =	strace $0x90000046  }
0xb3: {  	s29 =	simm.s32 $0x9;
	_ =	strace $0x80000048  }
0xb4: {  	_ =	swait.ge [sflag:s29], $0x1  }
0xb5: {  	[sflag:s29] =	ssyncadd.s32 $0xFFFFFFFF  }
0xb6: {  	_ =	strace $0x90000048  }
0xb7: {  	_ =	sfence  }
0xb8: {  	s30 =	sld [smem:$0x0];
	_ =	sdelay $0x2  }
0xb9: {  	s31 =	sshll.u32 s1, $0xD;
	s1 =	sshrl.u32 s1, $0x2  }
0xba: {  	s3 =	sand.u32 $0x4000, s31;
	s1 =	sadd.s32 s1, s30  }
0xbb: {  	s0 =	sor.u32 s3, s0;
	s1 =	sshll.u32 s1, $0x11  }
0xbc: {  	s0 =	sor.u32 s1, s0  }
0xbd: {  	s0 =	sadd.s32 $0x8F2B, s0  }
0xbe: {  	[sflag:s0] =	ssyncadd.remote.s32 $0x1  }
0xbf: {  	_ =	sfence.sel $0xFFFF  }
0xc0: {  	[dreg:$0x0] =	wrdreg $0xFFFFFFFF;
	(pc) =	sbr.abs _section_cstart, $3  }
0xc1: {  	[dreg:$0x1] =	wrdreg $0xFFFFFFFF  }
0xc2: {  	_ =	task.clear_ibuf [dreg:s8], $0x2FFFF;
	_ =	strace $0x9FFFFFFF  }
0xc3: {  	(tm) =	ssettm $0x7FFFFFFF  }
tec
execute0_lowered:
.L_overlay_start_1:
0x0: {  	(tag) =	ssettag $0x1  }
0x1: {  	s17 =	rddreg [dreg:$0x0]  }
0x2: {  	s22 =	rddreg [dreg:$0x1];
	s2 =	srdreg.scid  }
0x3: {  	s0 =	rddreg [dreg:$0x2];
	s1 =	stileid.u32;
	s26 =	sand.u32 $0x1, s2  }
0x4: {  	s2 =	simm.s32 $0x0;
	s3 =	sshll.u32 s1, $0x10;
	s4 =	sshll.u32 s26, $0xF  }
0x5: {  	[smem:$0x7FF] =	sst s2;
	s18 =	sor.u32 s4, s3  }
0x6: {  	_ =	strace $0x80000047;
	s3 =	sadd.s32 s17, s18;
	s13 =	sor.u32 $0x2000, s18  }
0x7: {  	[tilespmem:s2], [sflag:$0x1] =	stream.linear.gather [hbm4b:s3+s2], $0x10000, $0x38;
	v63 =	vld [tilespmem:$0x0]  }
0x8: {  	s5 =	simm.s32 $0x10000;
	s6 =	simm.s32 $0x1;
	s4 =	sadd.s32 s17, s13  }
0x9: {  	[tilespmem:s5], [sflag:$0x1] =	stream.linear.gather [hbm4b:s4+s2], $0x10000, $0x38;
	v63 =	vld [tilespmem:$0x0]  }
0xa: {  	_ =	swait.ge [sflag:s6], $0x10000  }
0xb: {  	[sflag:s6] =	ssyncset.done $0x0  }
0xc: {  	s7 =	sadd.s32 s22, s18;
	[sflag:s6] =	ssyncadd.s32 $0xFFFF0000  }
0xd: {  	[hbm4b:s7+s2] =	stream.linear.scatter [tilespmem:s2], [sflag:$0x2], $0x10000, $0x38;
	v63 =	vld [tilespmem:$0x0]  }
0xe: {  	s8 =	sadd.s32 $0x100000, s7  }
0xf: {  	[hbm4b:s8+s2] =	stream.linear.scatter [tilespmem:s2], [sflag:$0x2], $0x10000, $0x38;
	v63 =	vld [tilespmem:$0x0]  }
0x10: {  	s9 =	sadd.s32 $0x200000, s7  }
0x11: {  	[hbm4b:s9+s2] =	stream.linear.scatter [tilespmem:s2], [sflag:$0x2], $0x10000, $0x38;
	v63 =	vld [tilespmem:$0x0]  }
0x12: {  	s10 =	simm.s32 $0x2;
	s11 =	sadd.s32 $0x300000, s7  }
0x13: {  	[hbm4b:s11+s2] =	stream.linear.scatter [tilespmem:s2], [sflag:$0x2], $0x10000, $0x38;
	v63 =	vld [tilespmem:$0x0]  }
0x14: {  	_ =	swait.ge [sflag:s10], $0x10000  }
0x15: {  	[sflag:s10] =	ssyncset.done $0x0  }
0x16: {  	[sflag:s10] =	ssyncadd.s32 $0xFFFF0000  }
0x17: {  	_ =	swait.ge [sflag:s10], $0x10000  }
0x18: {  	[sflag:s10] =	ssyncset.done $0x0  }
0x19: {  	[sflag:s10] =	ssyncadd.s32 $0xFFFF0000  }
0x1a: {  	_ =	swait.ge [sflag:s10], $0x10000  }
0x1b: {  	[sflag:s10] =	ssyncset.done $0x0  }
0x1c: {  	[sflag:s10] =	ssyncadd.s32 $0xFFFF0000  }
0x1d: {  	_ =	swait.ge [sflag:s10], $0x10000  }
0x1e: {  	s19 =	sor.u32 $0x4000, s18;
	[sflag:s10] =	ssyncset.done $0x0  }
0x1f: {  	s12 =	sadd.s32 s17, s19;
	[sflag:s10] =	ssyncadd.s32 $0xFFFF0000  }
0x20: {  	[tilespmem:s2], [sflag:$0x1] =	stream.linear.gather [hbm4b:s12+s2], $0x10000, $0x38;
	v63 =	vld [tilespmem:$0x0]  }
0x21: {  	_ =	swait.ge [sflag:s6], $0x10000  }
0x22: {  	[sflag:s6] =	ssyncset.done $0x0  }
0x23: {  	s13 =	sadd.s32 s22, s13;
	[sflag:s6] =	ssyncadd.s32 $0xFFFF0000  }
0x24: {  	[hbm4b:s13+s2] =	stream.linear.scatter [tilespmem:s5], [sflag:$0x2], $0x10000, $0x38;
	v63 =	vld [tilespmem:$0x0]  }
0x25: {  	s14 =	sadd.s32 $0x102000, s7  }
0x26: {  	[hbm4b:s14+s2] =	stream.linear.scatter [tilespmem:s5], [sflag:$0x2], $0x10000, $0x38;
	v63 =	vld [tilespmem:$0x0]  }
0x27: {  	s15 =	sadd.s32 $0x202000, s7  }
0x28: {  	[hbm4b:s15+s2] =	stream.linear.scatter [tilespmem:s5], [sflag:$0x2], $0x10000, $0x38;
	v63 =	vld [tilespmem:$0x0]  }
0x29: {  	s16 =	sadd.s32 $0x302000, s7  }
0x2a: {  	[hbm4b:s16+s2] =	stream.linear.scatter [tilespmem:s5], [sflag:$0x2], $0x10000, $0x38;
	v63 =	vld [tilespmem:$0x0]  }
0x2b: {  	_ =	swait.ge [sflag:s10], $0x10000  }
0x2c: {  	[sflag:s10] =	ssyncset.done $0x0  }
0x2d: {  	[sflag:s10] =	ssyncadd.s32 $0xFFFF0000  }
0x2e: {  	_ =	swait.ge [sflag:s10], $0x10000  }
0x2f: {  	[sflag:s10] =	ssyncset.done $0x0  }
0x30: {  	[sflag:s10] =	ssyncadd.s32 $0xFFFF0000  }
0x31: {  	_ =	swait.ge [sflag:s10], $0x10000  }
0x32: {  	[sflag:s10] =	ssyncset.done $0x0  }
0x33: {  	[sflag:s10] =	ssyncadd.s32 $0xFFFF0000  }
0x34: {  	_ =	swait.ge [sflag:s10], $0x10000  }
0x35: {  	s23 =	sor.u32 $0x6000, s18;
	[sflag:s10] =	ssyncset.done $0x0  }
0x36: {  	s17 =	sadd.s32 s17, s23;
	[sflag:s10] =	ssyncadd.s32 $0xFFFF0000  }
0x37: {  	[tilespmem:s5], [sflag:$0x1] =	stream.linear.gather [hbm4b:s17+s2], $0x10000, $0x38;
	v63 =	vld [tilespmem:$0x0]  }
0x38: {  	_ =	swait.ge [sflag:s6], $0x10000  }
0x39: {  	[sflag:s6] =	ssyncset.done $0x0  }
0x3a: {  	s18 =	sadd.s32 s22, s19;
	[sflag:s6] =	ssyncadd.s32 $0xFFFF0000  }
0x3b: {  	[hbm4b:s18+s2] =	stream.linear.scatter [tilespmem:s2], [sflag:$0x2], $0x10000, $0x38;
	v63 =	vld [tilespmem:$0x0]  }
0x3c: {  	s19 =	sadd.s32 $0x104000, s7  }
0x3d: {  	[hbm4b:s19+s2] =	stream.linear.scatter [tilespmem:s2], [sflag:$0x2], $0x10000, $0x38;
	v63 =	vld [tilespmem:$0x0]  }
0x3e: {  	s20 =	sadd.s32 $0x204000, s7  }
0x3f: {  	[hbm4b:s20+s2] =	stream.linear.scatter [tilespmem:s2], [sflag:$0x2], $0x10000, $0x38;
	v63 =	vld [tilespmem:$0x0]  }
0x40: {  	s21 =	sadd.s32 $0x304000, s7  }
0x41: {  	[hbm4b:s21+s2] =	stream.linear.scatter [tilespmem:s2], [sflag:$0x2], $0x10000, $0x38;
	v63 =	vld [tilespmem:$0x0]  }
0x42: {  	_ =	swait.ge [sflag:s6], $0x10000  }
0x43: {  	[sflag:s6] =	ssyncset.done $0x0  }
0x44: {  	s22 =	sadd.s32 s22, s23;
	[sflag:s6] =	ssyncadd.s32 $0xFFFF0000  }
0x45: {  	[hbm4b:s22+s2] =	stream.linear.scatter [tilespmem:s5], [sflag:$0x2], $0x10000, $0x38;
	v63 =	vld [tilespmem:$0x0]  }
0x46: {  	s23 =	sadd.s32 $0x106000, s7  }
0x47: {  	[hbm4b:s23+s2] =	stream.linear.scatter [tilespmem:s5], [sflag:$0x2], $0x10000, $0x38;
	v63 =	vld [tilespmem:$0x0]  }
0x48: {  	s24 =	sadd.s32 $0x206000, s7  }
0x49: {  	[hbm4b:s24+s2] =	stream.linear.scatter [tilespmem:s5], [sflag:$0x2], $0x10000, $0x38;
	v63 =	vld [tilespmem:$0x0]  }
0x4a: {  	s25 =	sadd.s32 $0x306000, s7  }
0x4b: {  	[hbm4b:s25+s2] =	stream.linear.scatter [tilespmem:s5], [sflag:$0x2], $0x10000, $0x38;
	v63 =	vld [tilespmem:$0x0]  }
0x4c: {  	_ =	swait.ge [sflag:s10], $0x10000  }
0x4d: {  	[sflag:s10] =	ssyncset.done $0x0  }
0x4e: {  	[sflag:s10] =	ssyncadd.s32 $0xFFFF0000  }
0x4f: {  	_ =	swait.ge [sflag:s10], $0x10000  }
0x50: {  	[sflag:s10] =	ssyncset.done $0x0  }
0x51: {  	[sflag:s10] =	ssyncadd.s32 $0xFFFF0000  }
0x52: {  	_ =	swait.ge [sflag:s10], $0x10000  }
0x53: {  	[sflag:s10] =	ssyncset.done $0x0  }
0x54: {  	[sflag:s10] =	ssyncadd.s32 $0xFFFF0000  }
0x55: {  	_ =	swait.ge [sflag:s10], $0x10000  }
0x56: {  	[sflag:s10] =	ssyncset.done $0x0  }
0x57: {  	[sflag:s10] =	ssyncadd.s32 $0xFFFF0000  }
0x58: {  	_ =	swait.ge [sflag:s10], $0x10000  }
0x59: {  	s26 =	ssub.s32 $0x2, s26;
	[sflag:s10] =	ssyncset.done $0x0  }
0x5a: {  	s28 =	sshrl.u32 s26, $0x1;
	[sflag:s10] =	ssyncadd.s32 $0xFFFF0000  }
0x5b: {  	s26 =	ssub.s32 s26, s28;
	_ =	swait.ge [sflag:s10], $0x10000  }
0x5c: {  	s26 =	smax.u32 s26, $0x1;
	[sflag:s10] =	ssyncset.done $0x0  }
0x5d: {  	p0 =	sne.s32 s26, $0x1;
	[sflag:s10] =	ssyncadd.s32 $0xFFFF0000  }
.Ltmp0:
0x5e: {  	_ =	swait.ge [sflag:s10], $0x10000;
	(pc) =	sbr.rel @!p0 .LBB2_2-.Ltmp0, $4  }
0x5f: {  	[sflag:s10] =	ssyncset.done $0x0  }
0x60: {  	[sflag:s10] =	ssyncadd.s32 $0xFFFF0000  }
0x61: {  	_ =	swait.ge [sflag:s10], $0x10000  }
0x62: {  	s26 =	sadd.s32 $0xFFFFFFFF, s26;
	[sflag:s10] =	ssyncset.done $0x0  }
.LBB2_1:
0x63: {  	p0 =	sne.s32 s26, $0x1;
	s26 =	sadd.s32 $0xFFFFFFFF, s26;
	[sflag:s10] =	ssyncadd.s32 $0xFFFF0000  }
0x64: {  	[tilespmem:s2], [sflag:$0x1] =	stream.linear.gather [hbm4b:s3+s2], $0x10000, $0x38;
	v63 =	vld [tilespmem:$0x0]  }
0x65: {  	_ = 	snop  }
0x66: {  	[tilespmem:s5], [sflag:$0x1] =	stream.linear.gather [hbm4b:s4+s2], $0x10000, $0x38;
	v63 =	vld [tilespmem:$0x0]  }
0x67: {  	_ =	swait.ge [sflag:s6], $0x10000  }
0x68: {  	[sflag:s6] =	ssyncset.done $0x0  }
0x69: {  	[sflag:s6] =	ssyncadd.s32 $0xFFFF0000  }
0x6a: {  	[hbm4b:s7+s2] =	stream.linear.scatter [tilespmem:s2], [sflag:$0x2], $0x10000, $0x38;
	v63 =	vld [tilespmem:$0x0]  }
0x6b: {  	_ = 	snop  }
0x6c: {  	[hbm4b:s8+s2] =	stream.linear.scatter [tilespmem:s2], [sflag:$0x2], $0x10000, $0x38;
	v63 =	vld [tilespmem:$0x0]  }
0x6d: {  	_ = 	snop  }
0x6e: {  	[hbm4b:s9+s2] =	stream.linear.scatter [tilespmem:s2], [sflag:$0x2], $0x10000, $0x38;
	v63 =	vld [tilespmem:$0x0]  }
0x6f: {  	_ = 	snop  }
0x70: {  	[hbm4b:s11+s2] =	stream.linear.scatter [tilespmem:s2], [sflag:$0x2], $0x10000, $0x38;
	v63 =	vld [tilespmem:$0x0]  }
0x71: {  	_ =	swait.ge [sflag:s10], $0x10000  }
0x72: {  	[sflag:s10] =	ssyncset.done $0x0  }
0x73: {  	[sflag:s10] =	ssyncadd.s32 $0xFFFF0000  }
0x74: {  	_ =	swait.ge [sflag:s10], $0x10000  }
0x75: {  	[sflag:s10] =	ssyncset.done $0x0  }
0x76: {  	[sflag:s10] =	ssyncadd.s32 $0xFFFF0000  }
0x77: {  	_ =	swait.ge [sflag:s10], $0x10000  }
0x78: {  	[sflag:s10] =	ssyncset.done $0x0  }
0x79: {  	[sflag:s10] =	ssyncadd.s32 $0xFFFF0000  }
0x7a: {  	_ =	swait.ge [sflag:s10], $0x10000  }
0x7b: {  	[sflag:s10] =	ssyncset.done $0x0  }
0x7c: {  	[sflag:s10] =	ssyncadd.s32 $0xFFFF0000  }
0x7d: {  	[tilespmem:s2], [sflag:$0x1] =	stream.linear.gather [hbm4b:s12+s2], $0x10000, $0x38;
	v63 =	vld [tilespmem:$0x0]  }
0x7e: {  	_ =	swait.ge [sflag:s6], $0x10000  }
0x7f: {  	[sflag:s6] =	ssyncset.done $0x0  }
0x80: {  	[sflag:s6] =	ssyncadd.s32 $0xFFFF0000  }
0x81: {  	[hbm4b:s13+s2] =	stream.linear.scatter [tilespmem:s5], [sflag:$0x2], $0x10000, $0x38;
	v63 =	vld [tilespmem:$0x0]  }
0x82: {  	_ = 	snop  }
0x83: {  	[hbm4b:s14+s2] =	stream.linear.scatter [tilespmem:s5], [sflag:$0x2], $0x10000, $0x38;
	v63 =	vld [tilespmem:$0x0]  }
0x84: {  	_ = 	snop  }
0x85: {  	[hbm4b:s15+s2] =	stream.linear.scatter [tilespmem:s5], [sflag:$0x2], $0x10000, $0x38;
	v63 =	vld [tilespmem:$0x0]  }
0x86: {  	_ = 	snop  }
0x87: {  	[hbm4b:s16+s2] =	stream.linear.scatter [tilespmem:s5], [sflag:$0x2], $0x10000, $0x38;
	v63 =	vld [tilespmem:$0x0]  }
0x88: {  	_ =	swait.ge [sflag:s10], $0x10000  }
0x89: {  	[sflag:s10] =	ssyncset.done $0x0  }
0x8a: {  	[sflag:s10] =	ssyncadd.s32 $0xFFFF0000  }
0x8b: {  	_ =	swait.ge [sflag:s10], $0x10000  }
0x8c: {  	[sflag:s10] =	ssyncset.done $0x0  }
0x8d: {  	[sflag:s10] =	ssyncadd.s32 $0xFFFF0000  }
0x8e: {  	_ =	swait.ge [sflag:s10], $0x10000  }
0x8f: {  	[sflag:s10] =	ssyncset.done $0x0  }
0x90: {  	[sflag:s10] =	ssyncadd.s32 $0xFFFF0000  }
0x91: {  	_ =	swait.ge [sflag:s10], $0x10000  }
0x92: {  	[sflag:s10] =	ssyncset.done $0x0  }
0x93: {  	[sflag:s10] =	ssyncadd.s32 $0xFFFF0000  }
0x94: {  	[tilespmem:s5], [sflag:$0x1] =	stream.linear.gather [hbm4b:s17+s2], $0x10000, $0x38;
	v63 =	vld [tilespmem:$0x0]  }
0x95: {  	_ =	swait.ge [sflag:s6], $0x10000  }
0x96: {  	[sflag:s6] =	ssyncset.done $0x0  }
0x97: {  	[sflag:s6] =	ssyncadd.s32 $0xFFFF0000  }
0x98: {  	[hbm4b:s18+s2] =	stream.linear.scatter [tilespmem:s2], [sflag:$0x2], $0x10000, $0x38;
	v63 =	vld [tilespmem:$0x0]  }
0x99: {  	_ = 	snop  }
0x9a: {  	[hbm4b:s19+s2] =	stream.linear.scatter [tilespmem:s2], [sflag:$0x2], $0x10000, $0x38;
	v63 =	vld [tilespmem:$0x0]  }
0x9b: {  	_ = 	snop  }
0x9c: {  	[hbm4b:s20+s2] =	stream.linear.scatter [tilespmem:s2], [sflag:$0x2], $0x10000, $0x38;
	v63 =	vld [tilespmem:$0x0]  }
0x9d: {  	_ = 	snop  }
0x9e: {  	[hbm4b:s21+s2] =	stream.linear.scatter [tilespmem:s2], [sflag:$0x2], $0x10000, $0x38;
	v63 =	vld [tilespmem:$0x0]  }
0x9f: {  	_ =	swait.ge [sflag:s6], $0x10000  }
0xa0: {  	[sflag:s6] =	ssyncset.done $0x0  }
0xa1: {  	[sflag:s6] =	ssyncadd.s32 $0xFFFF0000  }
0xa2: {  	[hbm4b:s22+s2] =	stream.linear.scatter [tilespmem:s5], [sflag:$0x2], $0x10000, $0x38;
	v63 =	vld [tilespmem:$0x0]  }
0xa3: {  	_ = 	snop  }
0xa4: {  	[hbm4b:s23+s2] =	stream.linear.scatter [tilespmem:s5], [sflag:$0x2], $0x10000, $0x38;
	v63 =	vld [tilespmem:$0x0]  }
0xa5: {  	_ = 	snop  }
0xa6: {  	[hbm4b:s24+s2] =	stream.linear.scatter [tilespmem:s5], [sflag:$0x2], $0x10000, $0x38;
	v63 =	vld [tilespmem:$0x0]  }
0xa7: {  	_ = 	snop  }
0xa8: {  	[hbm4b:s25+s2] =	stream.linear.scatter [tilespmem:s5], [sflag:$0x2], $0x10000, $0x38;
	v63 =	vld [tilespmem:$0x0]  }
0xa9: {  	_ =	swait.ge [sflag:s10], $0x10000  }
0xaa: {  	[sflag:s10] =	ssyncset.done $0x0  }
0xab: {  	[sflag:s10] =	ssyncadd.s32 $0xFFFF0000  }
0xac: {  	_ =	swait.ge [sflag:s10], $0x10000  }
0xad: {  	[sflag:s10] =	ssyncset.done $0x0  }
0xae: {  	[sflag:s10] =	ssyncadd.s32 $0xFFFF0000  }
0xaf: {  	_ =	swait.ge [sflag:s10], $0x10000  }
0xb0: {  	[sflag:s10] =	ssyncset.done $0x0  }
0xb1: {  	[sflag:s10] =	ssyncadd.s32 $0xFFFF0000  }
0xb2: {  	_ =	swait.ge [sflag:s10], $0x10000  }
0xb3: {  	[sflag:s10] =	ssyncset.done $0x0  }
0xb4: {  	[sflag:s10] =	ssyncadd.s32 $0xFFFF0000  }
0xb5: {  	_ =	swait.ge [sflag:s10], $0x10000  }
0xb6: {  	[sflag:s10] =	ssyncset.done $0x0  }
0xb7: {  	[sflag:s10] =	ssyncadd.s32 $0xFFFF0000  }
0xb8: {  	_ =	swait.ge [sflag:s10], $0x10000  }
0xb9: {  	[sflag:s10] =	ssyncset.done $0x0  }
0xba: {  	[sflag:s10] =	ssyncadd.s32 $0xFFFF0000  }
.Ltmp1:
0xbb: {  	_ =	swait.ge [sflag:s10], $0x10000;
	(pc) =	sbr.rel @p0 .LBB2_1-.Ltmp1, $4  }
0xbc: {  	[sflag:s10] =	ssyncset.done $0x0  }
0xbd: {  	[sflag:s10] =	ssyncadd.s32 $0xFFFF0000  }
0xbe: {  	_ =	swait.ge [sflag:s10], $0x10000  }
0xbf: {  	[sflag:s10] =	ssyncset.done $0x0  }
.LBB2_2:
0xc0: {  	[sflag:s10] =	ssyncadd.s32 $0xFFFF0000  }
0xc1: {  	_ =	sfence.sel $0x180000  }
0xc2: {  	[bflag:$0x0] =	sbarrier.arrive $0xFFFF  }
0xc3: {  	p0 =	sne.s32 s1, $0x0;
	_ =	strace $0x90000047  }
0xc4: {  	s0 =	sadd.s32 @!p0 $0x100000, s0;
	[bflag:$0x2] =	sbarrier.arrive $0xFFFF  }
0xc5: {  	[sflag:s0] =	ssyncadd.tile.s32 @!p0 $0x1;
	_ =	shalt  }
.Lfunc_end2:
_tile_overlayer_lowered:
.L_overlay_start_2:
0xc6: {  	(tag) =	ssettag $0x2  }
0xc7: {  	s0 =	rddreg [dreg:$0x0];
	s2 =	stileid.u32  }
0xc8: {  	s1 =	rddreg [dreg:$0x1];
	p0 =	sne.s32 s2, $0x0  }
0xc9: {  	s3 =	rddreg [dreg:$0x2];
	[bflag:$0x3] =	sbarrier.arrive $0xFFFF;
	s2 =	simm.s32 @!p0 $0x1C03  }
0xca: {  	[timem:s3], [sflag:s2] =	dma.local @!p0 [hbm:s0], s1  }
0xcb: {  	s0 =	simm.s32 @!p0 $0x3  }
0xcc: {  	_ =	swait.ge @!p0 [sflag:s0], s1  }
0xcd: {  	s1 =	ssub.s32 @!p0 $0x0, s1;
	[sflag:s0] =	ssyncset.done @!p0 $0x0  }
0xce: {  	[sflag:s0] =	ssyncadd.s32 @!p0 s1  }
0xcf: {  	[bflag:$0x3] =	sbarrier.arrive $0xFFFF  }
0xd0: {  	_ =	shalt  }

</sc_bundles>
